<compile_context>
chip_gen: v7x
topology: tpu7x:2x2x1
jax: 0.10.2.dev20260603
libtpu: 0.0.44.dev20260713+nightly
codegen_flags: <defaults>
</compile_context>

<pallas_src>
import jax
import jax.numpy as jnp
from jax import lax
from jax.experimental import pallas as pl
from jax.experimental.pallas import tpu as pltpu
from jax.experimental.pallas import tpu_sc as plsc

_B, _L, _D = 16, 4096, 256
_LANES = 16
_NW = 32
_DBLKS = _D // _LANES
_TASKS = _B * _DBLKS
_TPW = _TASKS // _NW
_CHUNK = 1024
_NCHUNK = _L // _CHUNK


def _body(x_hbm, idx_hbm, out_hbm, x_v, idx_v, out_v):
    cid = lax.axis_index("c")
    sid = lax.axis_index("s")
    wid = sid * 2 + cid
    lanes = lax.iota(jnp.int32, _LANES)

    def task(i, carry):
        t = wid + i * _NW
        b = t // _DBLKS
        d0 = (t % _DBLKS) * _LANES
        pltpu.sync_copy(x_hbm.at[b, :, pl.ds(d0, _LANES)], x_v)

        def chunk(ci, carry2):
            l0 = ci * _CHUNK
            pltpu.sync_copy(idx_hbm.at[b, pl.ds(l0, _CHUNK), pl.ds(d0, _LANES)],
                            idx_v)

            @plsc.parallel_loop(0, _CHUNK, unroll=8)
            def _row(l):
                iv = idx_v[l, :]
                out_v[l, :] = plsc.load_gather(x_v, [iv, lanes])
            pltpu.sync_copy(out_v,
                            out_hbm.at[b, pl.ds(l0, _CHUNK), pl.ds(d0, _LANES)])
            return carry2

        lax.fori_loop(0, _NCHUNK, chunk, 0)
        return carry

    lax.fori_loop(0, _TPW, task, 0)


def kernel(x, indices):
    run = pl.kernel(
        _body,
        out_type=jax.ShapeDtypeStruct((_B, _L, _D), jnp.float32),
        mesh=plsc.VectorSubcoreMesh(core_axis_name="c", subcore_axis_name="s"),
        compiler_params=pltpu.CompilerParams(
            use_tc_tiling_on_sc=False, needs_layout_passes=False),
        scratch_types=[
            pltpu.VMEM((_L, _LANES), jnp.float32),
            pltpu.VMEM((_CHUNK, _LANES), jnp.int32),
            pltpu.VMEM((_CHUNK, _LANES), jnp.float32),
        ],
    )
    return run(x, indices)

# --- scband reference (transcript-rebuilt; emitter-appended) ---
"""Pipeline reference for scband-sequence-shuffle-84284438217162 (READ-ONLY COPY).

The authoritative reference and input builder live on the scoring server;
editing this copy changes nothing except your own understanding.
"""

import jax, jax.numpy as jnp
import numpy as np

B, L, D = 16, 4096, 256

def setup_inputs(seed: int = 0) -> dict:
    key = jax.random.key(seed)
    k1, k2 = jax.random.split(key)
    x = jax.random.normal(k1, (B, L, D), dtype=jnp.float32)
    indices = jax.random.randint(k2, (B, L, D), 0, L, dtype=jnp.int32)
    return {"x": x, "indices": indices}

def reference(x, indices):
    # torch.gather(x, dim=1, index=indices) == take_along_axis on axis 1
    shuffled = jnp.take_along_axis(x, indices, axis=1)
    return shuffled

if __name__ == "__main__":
    import jax
    _d = setup_inputs()
    print(jax.jit(kernel)(*tuple(_d.values())))

</pallas_src>

<mosaic_0001>
#map = affine_map<(d0, d1) -> (0, 0, 0)>
module attributes {stable_mosaic.version = 14 : i64} {
  func.func @_body(%arg0: i32, %arg1: i32, %arg2: memref<16x4096x256xf32, #tpu.memory_space<hbm>>, %arg3: memref<16x4096x256xi32, #tpu.memory_space<hbm>>, %arg4: memref<16x4096x256xf32, #tpu.memory_space<hbm>>, %arg5: memref<4096x16xf32, #tpu.memory_space<vmem>>, %arg6: memref<1024x16xi32, #tpu.memory_space<vmem>>, %arg7: memref<1024x16xf32, #tpu.memory_space<vmem>>) attributes {dimension_semantics = [#tpu.dimension_semantics<core_parallel>, #tpu.dimension_semantics<subcore_parallel>], iteration_bounds = array<i64: 2, 16>, scalar_prefetch = 0 : i64, scratch_operands = 3 : i64, tpu.core_type = #tpu.core_type<sc_vector_subcore>, window_params = [{transform_indices = #map}, {transform_indices = #map}, {transform_indices = #map}]} {
    %mul3A = arith.constant 2 : i32
    %mul3A_0 = arith.muli %arg1, %mul3A : i32
    %add3A = arith.addi %mul3A_0, %arg0 : i32
    %iota3A = tpu.iota {dimensions = array<i32: 0>} : vector<16xi32>
    %scan3A = arith.constant 0 : i32
    %scan3A_1 = arith.constant 0 : i32
    %scan3A_2 = arith.constant 8 : i32
    %scan3A_3 = arith.addi %scan3A_1, %scan3A_2 : i32
    %scan3A_4 = arith.constant 1 : i32
    scf.for %scan3A_6 = %scan3A_1 to %scan3A_3 step %scan3A_4  : i32 {
      %mul3A_7 = arith.constant 32 : i32
      %mul3A_8 = arith.muli %scan3A_6, %mul3A_7 : i32
      %add3A_9 = arith.addi %add3A, %mul3A_8 : i32
      %jit3A = arith.constant 16 : i32
      %div3A = arith.divsi %add3A_9, %jit3A : i32
      %sign3A = arith.constant 0 : i32
      %sign3A_10 = arith.cmpi sgt, %add3A_9, %sign3A : i32
      %sign3A_11 = arith.extui %sign3A_10 : i1 to i32
      %sign3A_12 = arith.constant 0 : i32
      %sign3A_13 = arith.cmpi slt, %add3A_9, %sign3A_12 : i32
      %sign3A_14 = arith.extui %sign3A_13 : i1 to i32
      %sign3A_15 = arith.subi %sign3A_11, %sign3A_14 : i32
      %sign3A_16 = arith.constant 0 : i32
      %sign3A_17 = arith.cmpi sgt, %jit3A, %sign3A_16 : i32
      %sign3A_18 = arith.extui %sign3A_17 : i1 to i32
      %sign3A_19 = arith.constant 0 : i32
      %sign3A_20 = arith.cmpi slt, %jit3A, %sign3A_19 : i32
      %sign3A_21 = arith.extui %sign3A_20 : i1 to i32
      %sign3A_22 = arith.subi %sign3A_18, %sign3A_21 : i32
      %ne3A = arith.cmpi ne, %sign3A_15, %sign3A_22 : i32
      %rem3A = arith.remsi %add3A_9, %jit3A : i32
      %ne3A_23 = arith.constant 0 : i32
      %ne3A_24 = arith.cmpi ne, %rem3A, %ne3A_23 : i32
      %and3A = arith.andi %ne3A, %ne3A_24 : i1
      %sub3A = arith.constant 1 : i32
      %sub3A_25 = arith.subi %div3A, %sub3A : i32
      %select_n3A = arith.select %and3A, %sub3A_25, %div3A : i32
      %jit3A_26 = arith.constant 16 : i32
      %eq3A = arith.constant 0 : i32
      %eq3A_27 = arith.cmpi eq, %jit3A_26, %eq3A : i32
      %jit3A_28 = arith.constant 1 : i32
      %select_n3A_29 = arith.select %eq3A_27, %jit3A_28, %jit3A_26 : i32
      %rem3A_30 = arith.remsi %add3A_9, %select_n3A_29 : i32
      %ne3A_31 = arith.constant 0 : i32
      %ne3A_32 = arith.cmpi ne, %rem3A_30, %ne3A_31 : i32
      %lt3A = arith.constant 0 : i32
      %lt3A_33 = arith.cmpi slt, %rem3A_30, %lt3A : i32
      %lt3A_34 = arith.constant 0 : i32
      %lt3A_35 = arith.cmpi slt, %select_n3A_29, %lt3A_34 : i32
      %ne3A_36 = arith.xori %lt3A_33, %lt3A_35 : i1
      %and3A_37 = arith.andi %ne3A_36, %ne3A_32 : i1
      %add3A_38 = arith.addi %rem3A_30, %select_n3A_29 : i32
      %select_n3A_39 = arith.select %and3A_37, %add3A_38, %rem3A_30 : i32
      %mul3A_40 = arith.constant 16 : i32
      %mul3A_41 = arith.muli %select_n3A_39, %mul3A_40 : i32
      "tpu.region"() ({
        %run_scoped3A = tpu.sem_alloc : memref<!tpu.dma_semaphore, #tpu.memory_space<semaphore_mem>>
        %dma_start3A = arith.constant 0 : i32
        %dma_start3A_48 = tpu.memref_slice %arg2[%select_n3A, %dma_start3A, %mul3A_41] : memref<16x4096x256xf32, #tpu.memory_space<hbm>> -> memref<1x4096x16xf32, #tpu.memory_space<hbm>>
        %dma_start3A_49 = tpu.memref_squeeze %dma_start3A_48 : memref<1x4096x16xf32, #tpu.memory_space<hbm>> -> memref<4096x16xf32, #tpu.memory_space<hbm>>
        %dma_start3A_50 = arith.constant 0 : i32
        %dma_start3A_51 = tpu.memref_slice %arg2[%select_n3A, %dma_start3A_50, %mul3A_41] : memref<16x4096x256xf32, #tpu.memory_space<hbm>> -> memref<1x4096x16xf32, #tpu.memory_space<hbm>>
        %dma_start3A_52 = tpu.memref_squeeze %dma_start3A_51 : memref<1x4096x16xf32, #tpu.memory_space<hbm>> -> memref<4096x16xf32, #tpu.memory_space<hbm>>
        tpu.enqueue_dma source(%dma_start3A_52 : memref<4096x16xf32, #tpu.memory_space<hbm>>) target(%arg5 : memref<4096x16xf32, #tpu.memory_space<vmem>>) target_semaphore(%run_scoped3A : memref<!tpu.dma_semaphore, #tpu.memory_space<semaphore_mem>>)
        %dma_wait3A = arith.constant 0 : i32
        %dma_wait3A_53 = tpu.memref_slice %arg2[%select_n3A, %dma_wait3A, %mul3A_41] : memref<16x4096x256xf32, #tpu.memory_space<hbm>> -> memref<1x4096x16xf32, #tpu.memory_space<hbm>>
        %dma_wait3A_54 = tpu.memref_squeeze %dma_wait3A_53 : memref<1x4096x16xf32, #tpu.memory_space<hbm>> -> memref<4096x16xf32, #tpu.memory_space<hbm>>
        %dma_wait3A_55 = arith.constant 0 : i32
        %dma_wait3A_56 = tpu.memref_slice %arg2[%select_n3A, %dma_wait3A_55, %mul3A_41] : memref<16x4096x256xf32, #tpu.memory_space<hbm>> -> memref<1x4096x16xf32, #tpu.memory_space<hbm>>
        %dma_wait3A_57 = tpu.memref_squeeze %dma_wait3A_56 : memref<1x4096x16xf32, #tpu.memory_space<hbm>> -> memref<4096x16xf32, #tpu.memory_space<hbm>>
        tpu.wait_dma2 semaphore(%run_scoped3A : memref<!tpu.dma_semaphore, #tpu.memory_space<semaphore_mem>>) src(%dma_wait3A_57 : memref<4096x16xf32, #tpu.memory_space<hbm>>) dst(%arg5 : memref<4096x16xf32, #tpu.memory_space<vmem>>)
        tpu.yield
      }) : () -> ()
      %scan3A_42 = arith.constant 0 : i32
      %scan3A_43 = arith.constant 0 : i32
      %scan3A_44 = arith.constant 4 : i32
      %scan3A_45 = arith.addi %scan3A_43, %scan3A_44 : i32
      %scan3A_46 = arith.constant 1 : i32
      scf.for %scan3A_48 = %scan3A_43 to %scan3A_45 step %scan3A_46  : i32 {
        %mul3A_49 = arith.constant 1024 : i32
        %mul3A_50 = arith.muli %scan3A_48, %mul3A_49 : i32
        "tpu.region"() ({
          %run_scoped3A = tpu.sem_alloc : memref<!tpu.dma_semaphore, #tpu.memory_space<semaphore_mem>>
          %dma_start3A = tpu.memref_slice %arg3[%select_n3A, %mul3A_50, %mul3A_41] : memref<16x4096x256xi32, #tpu.memory_space<hbm>> -> memref<1x1024x16xi32, #tpu.memory_space<hbm>>
          %dma_start3A_53 = tpu.memref_squeeze %dma_start3A : memref<1x1024x16xi32, #tpu.memory_space<hbm>> -> memref<1024x16xi32, #tpu.memory_space<hbm>>
          %dma_start3A_54 = tpu.memref_slice %arg3[%select_n3A, %mul3A_50, %mul3A_41] : memref<16x4096x256xi32, #tpu.memory_space<hbm>> -> memref<1x1024x16xi32, #tpu.memory_space<hbm>>
          %dma_start3A_55 = tpu.memref_squeeze %dma_start3A_54 : memref<1x1024x16xi32, #tpu.memory_space<hbm>> -> memref<1024x16xi32, #tpu.memory_space<hbm>>
          tpu.enqueue_dma source(%dma_start3A_55 : memref<1024x16xi32, #tpu.memory_space<hbm>>) target(%arg6 : memref<1024x16xi32, #tpu.memory_space<vmem>>) target_semaphore(%run_scoped3A : memref<!tpu.dma_semaphore, #tpu.memory_space<semaphore_mem>>)
          %dma_wait3A = tpu.memref_slice %arg3[%select_n3A, %mul3A_50, %mul3A_41] : memref<16x4096x256xi32, #tpu.memory_space<hbm>> -> memref<1x1024x16xi32, #tpu.memory_space<hbm>>
          %dma_wait3A_56 = tpu.memref_squeeze %dma_wait3A : memref<1x1024x16xi32, #tpu.memory_space<hbm>> -> memref<1024x16xi32, #tpu.memory_space<hbm>>
          %dma_wait3A_57 = tpu.memref_slice %arg3[%select_n3A, %mul3A_50, %mul3A_41] : memref<16x4096x256xi32, #tpu.memory_space<hbm>> -> memref<1x1024x16xi32, #tpu.memory_space<hbm>>
          %dma_wait3A_58 = tpu.memref_squeeze %dma_wait3A_57 : memref<1x1024x16xi32, #tpu.memory_space<hbm>> -> memref<1024x16xi32, #tpu.memory_space<hbm>>
          tpu.wait_dma2 semaphore(%run_scoped3A : memref<!tpu.dma_semaphore, #tpu.memory_space<semaphore_mem>>) src(%dma_wait3A_58 : memref<1024x16xi32, #tpu.memory_space<hbm>>) dst(%arg6 : memref<1024x16xi32, #tpu.memory_space<vmem>>)
          tpu.yield
        }) : () -> ()
        %parallel_loop3A = arith.constant 0 : i32
        %parallel_loop3A_51 = arith.constant 1024 : i32
        %parallel_loop3A_52 = arith.constant 1 : i32
        scf.for %parallel_loop3A_53 = %parallel_loop3A to %parallel_loop3A_51 step %parallel_loop3A_52  : i32 {
          %parallel_loop3A_54 = arith.index_cast %parallel_loop3A_53 : i32 to index
          %parallel_loop3A_55 = arith.constant 0 : index
          %parallel_loop3A_56 = tpu.vector_load %arg6[%parallel_loop3A_54, %parallel_loop3A_55] {strides = array<i32>} : memref<1024x16xi32, #tpu.memory_space<vmem>>, vector<16xi32>,
          %parallel_loop3A_57 = tpu.vector_load_idx %arg5[%parallel_loop3A_56, %iota3A] : memref<4096x16xf32, #tpu.memory_space<vmem>>[vector<16xi32>, vector<16xi32>], vector<16xf32>,
          %parallel_loop3A_58 = arith.index_cast %parallel_loop3A_53 : i32 to index
          %parallel_loop3A_59 = arith.constant 0 : index
          %parallel_loop3A_60 = tpu.vector_load %arg7[%parallel_loop3A_58, %parallel_loop3A_59] {strides = array<i32>} : memref<1024x16xf32, #tpu.memory_space<vmem>>, vector<16xf32>,
          tpu.vector_store %arg7[%parallel_loop3A_58, %parallel_loop3A_59], %parallel_loop3A_57 {strides = array<i32>} : memref<1024x16xf32, #tpu.memory_space<vmem>>, vector<16xf32>,
        } {sc.loop_unroll_factor = 8 : i64, sc.parallel_access}
        "tpu.region"() ({
          %run_scoped3A = tpu.sem_alloc : memref<!tpu.dma_semaphore, #tpu.memory_space<semaphore_mem>>
          %dma_start3A = tpu.memref_slice %arg4[%select_n3A, %mul3A_50, %mul3A_41] : memref<16x4096x256xf32, #tpu.memory_space<hbm>> -> memref<1x1024x16xf32, #tpu.memory_space<hbm>>
          %dma_start3A_53 = tpu.memref_squeeze %dma_start3A : memref<1x1024x16xf32, #tpu.memory_space<hbm>> -> memref<1024x16xf32, #tpu.memory_space<hbm>>
          %dma_start3A_54 = tpu.memref_slice %arg4[%select_n3A, %mul3A_50, %mul3A_41] : memref<16x4096x256xf32, #tpu.memory_space<hbm>> -> memref<1x1024x16xf32, #tpu.memory_space<hbm>>
          %dma_start3A_55 = tpu.memref_squeeze %dma_start3A_54 : memref<1x1024x16xf32, #tpu.memory_space<hbm>> -> memref<1024x16xf32, #tpu.memory_space<hbm>>
          tpu.enqueue_dma source(%arg7 : memref<1024x16xf32, #tpu.memory_space<vmem>>) target(%dma_start3A_55 : memref<1024x16xf32, #tpu.memory_space<hbm>>) target_semaphore(%run_scoped3A : memref<!tpu.dma_semaphore, #tpu.memory_space<semaphore_mem>>)
          %dma_wait3A = tpu.memref_slice %arg4[%select_n3A, %mul3A_50, %mul3A_41] : memref<16x4096x256xf32, #tpu.memory_space<hbm>> -> memref<1x1024x16xf32, #tpu.memory_space<hbm>>
          %dma_wait3A_56 = tpu.memref_squeeze %dma_wait3A : memref<1x1024x16xf32, #tpu.memory_space<hbm>> -> memref<1024x16xf32, #tpu.memory_space<hbm>>
          %dma_wait3A_57 = tpu.memref_slice %arg4[%select_n3A, %mul3A_50, %mul3A_41] : memref<16x4096x256xf32, #tpu.memory_space<hbm>> -> memref<1x1024x16xf32, #tpu.memory_space<hbm>>
          %dma_wait3A_58 = tpu.memref_squeeze %dma_wait3A_57 : memref<1x1024x16xf32, #tpu.memory_space<hbm>> -> memref<1024x16xf32, #tpu.memory_space<hbm>>
          tpu.wait_dma2 semaphore(%run_scoped3A : memref<!tpu.dma_semaphore, #tpu.memory_space<semaphore_mem>>) src(%arg7 : memref<1024x16xf32, #tpu.memory_space<vmem>>) dst(%dma_wait3A_58 : memref<1024x16xf32, #tpu.memory_space<hbm>>)
          tpu.yield
        }) : () -> ()
      }
      %scan3A_47 = arith.constant 4 : i32
    }
    %scan3A_5 = arith.constant 8 : i32
    return
  }
}

</mosaic_0001>

<sc_bundles>
// kernel: kernel.3.cloned.1.call-start
scs
__scs_entry_jumppad:
0x0: {  	(pc) =	sbr.rel $0x88, $3  }
0x1: {  	(tag) =	ssettag $0x0;
	lr =	simm.s32 $0x1  }
0x2: {  	[smem:$0x3F9F] =	sst lr;
	_ =	strace $0xD0000000  }
0x3: {  	_ = 	snop  }
0x4: {  	_ = 	snop  }
0x5: {  	_ = 	snop  }
0x6: {  	_ = 	snop  }
0x7: {  	_ = 	snop  }
__scs_overlays_trampoline_lowered:
0x8: {  	[smem:$0x3FAE] =	sst s0  }
0x9: {  	[smem:$0x3FAF] =	sst s1  }
0xa: {  	[smem:$0x3FB0] =	sst s2  }
0xb: {  	[smem:$0x3FB1] =	sst s3  }
0xc: {  	[smem:$0x3FB2] =	sst s4  }
0xd: {  	[smem:$0x3FB3] =	sst s5  }
0xe: {  	[smem:$0x3FB4] =	sst s6  }
0xf: {  	[smem:$0x3FB5] =	sst s7  }
0x10: {  	[smem:$0x3FB6] =	sst s8  }
0x11: {  	[smem:$0x3FB7] =	sst s9;
	s0 =	simm.s32 @!p0 $0x0  }
0x12: {  	s1 =	sld [smem:$0x3F9D];
	s0 =	simm.s32 @p0 $0x1  }
0x13: {  	[smem:$0x3FB8] =	sst s0;
	s0 =	simm.s32 @!p1 $0x0  }
0x14: {  	s2 =	sld [smem:$0x3F9C];
	s0 =	simm.s32 @p1 $0x1  }
0x15: {  	[smem:$0x3FB9] =	sst s0;
	s0 =	simm.s32 @!p2 $0x0  }
0x16: {  	s3 =	sld [smem:$0x3FDB];
	s0 =	simm.s32 @p2 $0x1  }
0x17: {  	s4 =	simm.s32 $0x1BF5;
	[smem:$0x3FBB] =	sst s0  }
0x18: {  	s0 =	sld [smem:$0x3F9E];
	_ =	swait.ge [sflag:s4], $0x0  }
0x19: {  	s7 =	sld [smem:$0x3F9F]  }
0x1a: {  	s8 =	sadd.s32 $0xFFFFE003, lr  }
0x1b: {  	s9 =	sadd.s32 $0xFFFFFEF7, lr;
	s5 =	simm.s32 $0xFFFFFFFF;
	p2 =	slt.u32 s8, $0xFFFFF086  }
0x1c: {  	p1 =	slt.u32 s9, $0xF7A;
	s5 =	simm.s32 @!p2 $0x0  }
0x1d: {  	s5 =	simm.s32 @p1 $0x1;
	p0 =	seq.s32 s7, s2  }
0x1e: {  	s7 =	smul.u32 @!p0 $0xF7A, s2;
	p2 =	seq.s32 @!p0 s5, $0x0  }
0x1f: {  	s9 =	smul.u32 $0xF7A, s1;
	s8 =	simm.s32 @!p0 $0x1BF5;
	p2 =	por !p2, p0  }
0x20: {  	[sflag:s8] =	ssyncset.s32 @!p0 $0xFFFFF086;
	s6 =	sadd.s32 @!p0 s3, s7;
	s7 =	simm.s32 @!p0 $0x108  }
0x21: {  	s3 =	sadd.s32 s3, s9;
	s6 =	sadd.s32 @!p0 $0x88, s6;
	s7 =	simm.s32 @p2 $0x1082  }
0x22: {  	[simem:s7], [sflag:s8] =	dma.local @!p0 [hbm:s6], $0xF7A  }
0x23: {  	s9 =	sor.u32 $0xD0000000, s2;
	s6 =	simm.s32 $0x108;
	_ =	swait.ge @!p0 [sflag:s8], $0x0  }
0x24: {  	s3 =	sadd.s32 $0x88, s3;
	s6 =	simm.s32 @!p1 $0x1082;
	[sflag:s4] =	ssyncset.s32 $0xFFFFF086  }
0x25: {  	[simem:s6], [sflag:s4] =	dma.local [hbm:s3], $0xF7A  }
0x26: {  	[smem:$0x3F9F] =	sst s1;
	(tag) =	ssettag s2;
	_ =	strace s9  }
0x27: {  	s1 =	sld [smem:$0x3FAF]  }
0x28: {  	s2 =	sld [smem:$0x3FB0]  }
0x29: {  	s4 =	sld [smem:$0x3FB2]  }
0x2a: {  	p0 =	seq.s32 s5, $0x0;
	s5 =	sld [smem:$0x3FB3]  }
0x2b: {  	s6 =	sld [smem:$0x3FB4]  }
0x2c: {  	s7 =	sld [smem:$0x3FB5]  }
0x2d: {  	s3 =	simm.s32 $0x108;
	s8 =	sld [smem:$0x3FB6]  }
0x2e: {  	s3 =	simm.s32 @!p0 $0x1082;
	s9 =	sld [smem:$0x3FB7]  }
0x2f: {  	lr =	sadd.s32 s0, s3;
	s0 =	sld [smem:$0x3FAE]  }
0x30: {  	s3 =	sld [smem:$0x3FB1]  }
0x31: {  	[smem:$0x3FBA] =	sst s10  }
0x32: {  	s10 =	sld [smem:$0x3FB8];
	_ =	sdelay $0x3  }
0x33: {  	p0 =	seq.s32 s10, $0x1;
	s10 =	sld [smem:$0x3FBA];
	_ =	sdelay $0x3  }
0x34: {  	[smem:$0x3FBA] =	sst s10  }
0x35: {  	s10 =	sld [smem:$0x3FB9];
	_ =	sdelay $0x3  }
0x36: {  	p1 =	seq.s32 s10, $0x1;
	s10 =	sld [smem:$0x3FBA];
	_ =	sdelay $0x3  }
0x37: {  	[smem:$0x3FBA] =	sst s10  }
0x38: {  	s10 =	sld [smem:$0x3FBB]  }
0x39: {  	_ = 	snop;
	(pc) =	sbr.ind lr, $3  }
0x3a: {  	_ = 	snop  }
0x3b: {  	_ = 	snop  }
0x3c: {  	p2 =	seq.s32 s10, $0x1;
	s10 =	sld [smem:$0x3FBA]  }
0x3d: {  	_ =	shalt  }
0x3e: {  	_ =	shalt  }
0x3f: {  	_ =	shalt  }
0x40: {  	_ =	shalt  }
0x41: {  	_ =	shalt  }
0x42: {  	_ =	shalt  }
0x43: {  	_ =	shalt  }
0x44: {  	_ =	shalt  }
0x45: {  	_ =	shalt  }
0x46: {  	_ =	shalt  }
0x47: {  	_ =	shalt  }
0x48: {  	_ =	shalt  }
0x49: {  	_ =	shalt  }
0x4a: {  	_ =	shalt  }
0x4b: {  	_ =	shalt  }
0x4c: {  	_ =	shalt  }
0x4d: {  	_ =	shalt  }
0x4e: {  	_ =	shalt  }
0x4f: {  	_ =	shalt  }
0x50: {  	_ =	shalt  }
0x51: {  	_ =	shalt  }
0x52: {  	_ =	shalt  }
0x53: {  	_ =	shalt  }
0x54: {  	_ =	shalt  }
0x55: {  	_ =	shalt  }
0x56: {  	_ =	shalt  }
0x57: {  	_ =	shalt  }
0x58: {  	_ =	shalt  }
0x59: {  	_ =	shalt  }
0x5a: {  	_ =	shalt  }
0x5b: {  	_ =	shalt  }
0x5c: {  	_ =	shalt  }
0x5d: {  	_ =	shalt  }
0x5e: {  	_ =	shalt  }
0x5f: {  	_ =	shalt  }
0x60: {  	_ =	shalt  }
0x61: {  	_ =	shalt  }
0x62: {  	_ =	shalt  }
0x63: {  	_ =	shalt  }
0x64: {  	_ =	shalt  }
0x65: {  	_ =	shalt  }
0x66: {  	_ =	shalt  }
0x67: {  	_ =	shalt  }
0x68: {  	_ =	shalt  }
0x69: {  	_ =	shalt  }
0x6a: {  	_ =	shalt  }
0x6b: {  	_ =	shalt  }
0x6c: {  	_ =	shalt  }
0x6d: {  	_ =	shalt  }
0x6e: {  	_ =	shalt  }
0x6f: {  	_ =	shalt  }
0x70: {  	_ =	shalt  }
0x71: {  	_ =	shalt  }
0x72: {  	_ =	shalt  }
0x73: {  	_ =	shalt  }
0x74: {  	_ =	shalt  }
0x75: {  	_ =	shalt  }
0x76: {  	_ =	shalt  }
0x77: {  	_ =	shalt  }
0x78: {  	_ =	shalt  }
0x79: {  	_ =	shalt  }
0x7a: {  	_ =	shalt  }
0x7b: {  	_ =	shalt  }
0x7c: {  	_ =	shalt  }
0x7d: {  	_ =	shalt  }
0x7e: {  	_ =	shalt  }
0x7f: {  	_ =	shalt  }
0x80: {  	_ =	shalt  }
0x81: {  	_ =	shalt  }
0x82: {  	_ =	shalt  }
0x83: {  	_ =	shalt  }
0x84: {  	_ =	shalt  }
0x85: {  	_ =	shalt  }
0x86: {  	_ =	shalt  }
0x87: {  	_ =	shalt  }
.Lfunc_end0:
.L_simem_size_0:
called_computation.2_lowered:
.L_overlay_start_0:
0x88: {  	s2 =	sld [smem:$0x3FD9]  }
0x89: {  	s3 =	sld [smem:$0x3FFE];
	_ =	sdelay $0x1  }
0x8a: {  	s1 =	srdreg.scid  }
0x8b: {  	s0 =	sand.u32 $0x1, s1  }
0x8c: {  	s17 =	sshll.u32 s0, $0xA;
	s2 =	sadd.s32 s3, s2  }
0x8d: {  	s2 =	sadd.s32 s2, s17  }
0x8e: {  	[smem:$0x3FC6] =	sst s2  }
0x8f: {  	_ = 	snop  }
0x90: {  	s2 =	sld [smem:$0x3FD0];
	(tm) =	ssettm $0x1  }
0x91: {  	s18 =	sld [smem:$0x3FFB];
	_ =	sdelay $0x3  }
0x92: {  	_ =	strace s18  }
0x93: {  	s3 =	sld [smem:$0x3FFC];
	_ =	sdelay $0x3  }
0x94: {  	_ =	strace s3  }
0x95: {  	s3 =	sld [smem:$0x3FFD];
	_ =	sdelay $0x3  }
0x96: {  	_ =	strace s3  }
0x97: {  	_ =	strace $0x8FFFFFFF  }
0x98: {  	s19 =	sld [smem:$0x3FDB];
	_ =	sdelay $0x1  }
0x99: {  	s4 =	simm.s32 $_scs_section_size  }
0x9a: {  	s5 =	simm.s32 $_size__tile_overlayer_lowered;
	s6 =	simm.s32 $_tile_overlayer_lowered  }
0x9b: {  	s22 =	simm.s32 $0x1BFF;
	s21 =	sshll.u32 s6, $0x1;
	s3 =	sadd.s32 s4, s19  }
0x9c: {  	s7 =	simm.s32 $0x0;
	s20 =	sshll.u32 s5, $0x1;
	s5 =	sadd.s32 s21, s3  }
0x9d: {  	[timem:s7], [sflag:s22] =	dma.local [hbm:s5], s20  }
0x9e: {  	_ =	swait.ge [sflag:s22], s20  }
0x9f: {  	s4 =	ssub.s32 $0x0, s20;
	[sflag:s22] =	ssyncset.done $0x0  }
0xa0: {  	[sflag:s22] =	ssyncadd.s32 s4;
	_ =	sdelay $0x1  }
0xa1: {  	s23 =	simm.s32 $0x1B8B  }
0xa2: {  	_ =	swait.ge [sflag:s23], $0x1  }
0xa3: {  	[sflag:s23] =	ssyncset.done $0x0  }
0xa4: {  	s25 =	simm.s32 $0x1B8E;
	s24 =	sld [smem:$0x3FFE];
	[sflag:s23] =	ssyncadd.s32 $0xFFFFFFFF  }
0xa5: {  	s26 =	simm.s32 $execute0_lowered;
	[smem:$0x3FD2] =	sst s25  }
0xa6: {  	s5 =	sshll.u32 s26, $0x1;
	_ =	strace $0x8000004C;
	[dreg:$0x1] =	wrdreg $0xFFFFFFFF  }
0xa7: {  	s28 =	simm.s32 $_size_execute0_lowered;
	s3 =	sadd.s32 s3, s5;
	[dreg:$0x0] =	wrdreg $0x0  }
0xa8: {  	s5 =	sshll.u32 s28, $0x1;
	[dreg:$0x2] =	wrdreg s3  }
0xa9: {  	[dreg:$0x3] =	wrdreg s5  }
0xaa: {  	[dreg:$0x4] =	wrdreg $0xC0  }
0xab: {  	_ =	task [dreg:s7], $0x5FFFF  }
0xac: {  	[dreg:$0x1] =	wrdreg $0xFFFFFFFF  }
0xad: {  	[dreg:$0x0] =	wrdreg $0x60  }
0xae: {  	[dreg:$0x2] =	wrdreg s24  }
0xaf: {  	[dreg:$0x3] =	wrdreg s2  }
0xb0: {  	[dreg:$0x4] =	wrdreg $0x9  }
0xb1: {  	_ =	task.clear_ibuf [dreg:s7], $0x5FFFF;
	_ =	strace $0x9000004C  }
0xb2: {  	s29 =	simm.s32 $0x9;
	_ =	strace $0x8000004E  }
0xb3: {  	_ =	swait.ge [sflag:s29], $0x1  }
0xb4: {  	[sflag:s29] =	ssyncadd.s32 $0xFFFFFFFF  }
0xb5: {  	_ =	strace $0x9000004E  }
0xb6: {  	_ =	sfence  }
0xb7: {  	s30 =	sld [smem:$0x0];
	_ =	sdelay $0x2  }
0xb8: {  	s31 =	sshll.u32 s1, $0xD;
	s1 =	sshrl.u32 s1, $0x2  }
0xb9: {  	s3 =	sand.u32 $0x4000, s31;
	s1 =	sadd.s32 s1, s30  }
0xba: {  	s0 =	sor.u32 s3, s0;
	s1 =	sshll.u32 s1, $0x11  }
0xbb: {  	s0 =	sor.u32 s1, s0  }
0xbc: {  	s0 =	sadd.s32 $0x8F2B, s0  }
0xbd: {  	[sflag:s0] =	ssyncadd.remote.s32 $0x1  }
0xbe: {  	_ =	sfence.sel $0xFFFF  }
0xbf: {  	[dreg:$0x0] =	wrdreg $0xFFFFFFFF;
	(pc) =	sbr.abs _section_cstart, $3  }
0xc0: {  	[dreg:$0x1] =	wrdreg $0xFFFFFFFF  }
0xc1: {  	_ =	task.clear_ibuf [dreg:s7], $0x2FFFF;
	_ =	strace $0x9FFFFFFF  }
0xc2: {  	(tm) =	ssettm $0x7FFFFFFF  }
0xc3: {  	_ =	shalt  }
tec
execute0_lowered:
.L_overlay_start_1:
0x0: {  	(tag) =	ssettag $0x1  }
0x1: {  	s5 =	rddreg [dreg:$0x0]  }
0x2: {  	s1 =	rddreg [dreg:$0x1]  }
0x3: {  	s0 =	rddreg [dreg:$0x2];
	s2 =	simm.s32 $0x0  }
0x4: {  	s3 =	srdreg.scid;
	s11 =	simm.s32 $0x10000;
	s12 =	simm.s32 $0x14000  }
0x5: {  	s13 =	simm.s32 $0x0;
	[smem:$0x7FF] =	sst s2;
	s6 =	sand.u32 $0x1, s3  }
0x6: {  	s3 =	stileid.u32;
	s4 =	sadd.s32 $0xC00, s5;
	s5 =	sadd.s32 $0x200C00, s5  }
0x7: {  	_ =	strace $0x8000004D;
	s7 =	ssub.s32 $0x2, s6;
	s9 =	sshll.u32 s3, $0x5  }
0x8: {  	s6 =	sshll.u32 s6, $0x4;
	s10 =	sshll.u32 s3, $0x11;
	s8 =	sshrl.u32 s7, $0x1  }
0x9: {  	s9 =	sand.u32 $0xE0, s9;
	s31 =	sand.u32 $0x100000, s10;
	s10 =	simm.s32 $0x1  }
0xa: {  	s7 =	ssub.s32 s7, s8;
	s30 =	sor.u32 s6, s9;
	s8 =	simm.s32 $0x10  }
0xb: {  	v0 =	vlaneseq.u32;
	s9 =	simm.s32 $0x100;
	s6 =	smax.u32 s7, $0x1;
	s7 =	sor.u32 s30, s31  }
.LBB2_1:
0xc: {  	s14 =	simm.s32 $0x0  }
.LBB2_2:
0xd: {  	s15 =	sshll.u32 s14, $0x15  }
0xe: {  	s15 =	sor.u32 s7, s15  }
0xf: {  	s16 =	sshrl.u32 s15, $0x3  }
0x10: {  	s17 =	sadd.s32 s4, s16;
	s16 =	simm.s32 $0x0  }
0x11: {  	[tilespmem:s16], [sflag:$0x1] =	stream.strided.gather [hbm4b:s17+s8], $0x10000, s9, s8, $0x38;
	[tilespmem:$0x18000] =	vst v63  }
0x12: {  	_ =	swait.ge [sflag:s10], $0x10000  }
0x13: {  	[sflag:s10] =	ssyncset.done $0x0  }
0x14: {  	[sflag:s10] =	ssyncadd.s32 $0xFFFF0000  }
.LBB2_3:
0x15: {  	s17 =	sshll.u32 s16, $0x12  }
0x16: {  	s17 =	sadd.s32 s15, s17  }
0x17: {  	s17 =	sshrl.u32 s17, $0x3  }
0x18: {  	s18 =	sadd.s32 s1, s17  }
0x19: {  	[tilespmem:s11], [sflag:$0x1] =	stream.strided.gather [hbm4b:s18+s8], $0x4000, s9, s8, $0x38;
	[tilespmem:$0x18000] =	vst v63  }
0x1a: {  	_ =	swait.ge [sflag:s10], $0x4000  }
0x1b: {  	[sflag:s10] =	ssyncset.done $0x0  }
0x1c: {  	s30 =	simm.s32 $0x10040;
	[sflag:s10] =	ssyncadd.s32 $0xFFFFC000  }
0x1d: {  	v1 =	vld [tilespmem:s30+$0x30]  }
0x1e: {  	v4 =	vld [tilespmem:s30+$0xFFFFFFF0]  }
0x1f: {  	v5 =	vld [tilespmem:s30+$0x0]  }
0x20: {  	v2 =	vld [tilespmem:s30+$0xFFFFFFD0]  }
0x21: {  	v3 =	vld [tilespmem:s30+$0xFFFFFFE0]  }
0x22: {  	v6 =	vld [tilespmem:s30+$0x10]  }
0x23: {  	v7 =	vld [tilespmem:s30+$0x20];
	v4 =	vshll.u32 v4, $0x4  }
0x24: {  	s31 =	simm.s32 $0x100C0;
	v8 =	vld [tilespmem:s30+$0xFFFFFFC0];
	v5 =	vshll.u32 v5, $0x4;
	v4 =	vor.u32 v0, v4  }
0x25: {  	v11 =	vld [tilespmem:s31+$0xFFFFFFE0];
	v5 =	vor.u32 v0, v5  }
0x26: {  	v12 =	vld [tilespmem:s31+$0xFFFFFFF0]  }
0x27: {  	v13 =	vld [tilespmem:s31+$0x0];
	v1 =	vshll.u32 v1, $0x4  }
0x28: {  	v14 =	vld [tilespmem:s31+$0x10];
	v2 =	vshll.u32 v2, $0x4;
	v1 =	vor.u32 v0, v1  }
0x29: {  	v3 =	vshll.u32 v3, $0x4;
	v2 =	vor.u32 v0, v2;
	v9 =	vld.idx.msk [tilespmem:v4+s2+$0x0], $0xffff  }
0x2a: {  	v3 =	vor.u32 v0, v3;
	v10 =	vld.idx.msk [tilespmem:v5+s2+$0x0], $0xffff  }
0x2b: {  	v4 =	vld [tilespmem:s31+$0x30]  }
0x2c: {  	v8 =	vshll.u32 v8, $0x4;
	v5 =	vld [tilespmem:s31+$0xFFFFFFD0]  }
0x2d: {  	v6 =	vshll.u32 v6, $0x4;
	v8 =	vor.u32 v0, v8;
	v1 =	vld.idx.msk [tilespmem:v1+s2+$0x0], $0xffff  }
0x2e: {  	v7 =	vshll.u32 v7, $0x4;
	v6 =	vor.u32 v0, v6;
	v2 =	vld.idx.msk [tilespmem:v2+s2+$0x0], $0xffff  }
0x2f: {  	v11 =	vshll.u32 v11, $0x4;
	v7 =	vor.u32 v0, v7;
	v3 =	vld.idx.msk [tilespmem:v3+s2+$0x0], $0xffff  }
0x30: {  	v15 =	vld [tilespmem:s31+$0x20];
	v11 =	vor.u32 v0, v11;
	v4 =	vshll.u32 v4, $0x4  }
0x31: {  	s18 =	simm.s32 $0x14040;
	v16 =	vld [tilespmem:s31+$0xFFFFFFC0];
	v5 =	vshll.u32 v5, $0x4;
	v4 =	vor.u32 v0, v4  }
0x32: {  	v12 =	vshll.u32 v12, $0x4;
	v17 =	vld.idx.msk [tilespmem:v8+s2+$0x0], $0xffff;
	[tilespmem:s18+$0x30] =	vst v1;
	v5 =	vor.u32 v0, v5  }
0x33: {  	v8 =	vor.u32 v0, v12;
	v63 =	vld.idx.msk [tilespmem:v6+s2+$0x0], $0xffff;
	v1 =	vshll.u32 v13, $0x4;
	[tilespmem:s18+$0xFFFFFFD0] =	vst v2  }
0x34: {  	v6 =	vld.idx.msk [tilespmem:v7+s2+$0x0], $0xffff;
	[tilespmem:s18+$0xFFFFFFE0] =	vst v3;
	v13 =	vor.u32 v0, v1  }
0x35: {  	v7 =	vld.idx.msk [tilespmem:v11+s2+$0x0], $0xffff;
	[tilespmem:s18+$0xFFFFFFF0] =	vst v9  }
0x36: {  	[tilespmem:s18+$0x0] =	vst v10;
	v4 =	vld.idx.msk [tilespmem:v4+s2+$0x0], $0xffff  }
0x37: {  	[tilespmem:s18+$0xFFFFFFC0] =	vst v17;
	v5 =	vld.idx.msk [tilespmem:v5+s2+$0x0], $0xffff  }
0x38: {  	v2 =	vshll.u32 v15, $0x4;
	v3 =	vshll.u32 v16, $0x4;
	v8 =	vld.idx.msk [tilespmem:v8+s2+$0x0], $0xffff;
	[tilespmem:s18+$0x10] =	vst v63;
	v1 =	vshll.u32 v14, $0x4  }
0x39: {  	s19 =	simm.s32 $0x8;
	s20 =	simm.s32 $0x10140;
	v2 =	vor.u32 v0, v2;
	v3 =	vor.u32 v0, v3;
	v1 =	vor.u32 v0, v1;
	v9 =	vld.idx.msk [tilespmem:v13+s2+$0x0], $0xffff  }
.LBB2_4:
0x3a: {  	v10 =	vld [tilespmem:s20+$0x30];
	s19 =	sadd.s32 $0x8, s19;
	[tilespmem:s18+$0x20] =	vst v6;
	s18 =	sadd.s32 $0x80, s18  }
0x3b: {  	v6 =	vld [tilespmem:s20+$0xFFFFFFD0];
	p0 =	slt.u32 s19, $0x3F8;
	[tilespmem:s18+$0x30] =	vst v4  }
0x3c: {  	v4 =	vld [tilespmem:s20+$0xFFFFFFE0];
	[tilespmem:s18+$0xFFFFFFD0] =	vst v5  }
0x3d: {  	v5 =	vld [tilespmem:s20+$0xFFFFFFF0];
	[tilespmem:s18+$0xFFFFFFE0] =	vst v7  }
0x3e: {  	v7 =	vld [tilespmem:s20+$0x0];
	[tilespmem:s18+$0xFFFFFFF0] =	vst v8  }
0x3f: {  	v8 =	vld [tilespmem:s20+$0x10];
	v10 =	vshll.u32 v10, $0x4;
	[tilespmem:s18+$0x0] =	vst v9  }
0x40: {  	v6 =	vshll.u32 v6, $0x4;
	v9 =	vld [tilespmem:s20+$0x20];
	v10 =	vor.u32 v0, v10  }
0x41: {  	v11 =	vld [tilespmem:s20+$0xFFFFFFC0];
	v12 =	vor.u32 v0, v6;
	v4 =	vshll.u32 v4, $0x4  }
0x42: {  	v13 =	vor.u32 v0, v4;
	v4 =	vshll.u32 v5, $0x4;
	v14 =	vld.idx.msk [tilespmem:v3+s2+$0x0], $0xffff  }
0x43: {  	v15 =	vor.u32 v0, v4;
	v3 =	vshll.u32 v7, $0x4;
	v16 =	vld.idx.msk [tilespmem:v1+s2+$0x0], $0xffff  }
0x44: {  	v17 =	vor.u32 v0, v3;
	v1 =	vshll.u32 v8, $0x4;
	v6 =	vld.idx.msk [tilespmem:v2+s2+$0x0], $0xffff  }
.Ltmp0:
0x45: {  	v1 =	vor.u32 v0, v1;
	v2 =	vshll.u32 v9, $0x4;
	v4 =	vld.idx.msk [tilespmem:v10+s2+$0x0], $0xffff;
	(pc) =	sbr.rel @p0 .LBB2_4-.Ltmp0, $4  }
0x46: {  	v3 =	vshll.u32 v11, $0x4;
	v5 =	vld.idx.msk [tilespmem:v12+s2+$0x0], $0xffff;
	v2 =	vor.u32 v0, v2  }
0x47: {  	v3 =	vor.u32 v0, v3;
	v7 =	vld.idx.msk [tilespmem:v13+s2+$0x0], $0xffff  }
0x48: {  	v8 =	vld.idx.msk [tilespmem:v15+s2+$0x0], $0xffff;
	[tilespmem:s18+$0xFFFFFFC0] =	vst v14  }
0x49: {  	s20 =	sadd.s32 $0x80, s20;
	v9 =	vld.idx.msk [tilespmem:v17+s2+$0x0], $0xffff;
	[tilespmem:s18+$0x10] =	vst v16  }
0x4a: {  	_ =	sdelay $0x2  }
0x4b: {  	[tilespmem:s18+$0x20] =	vst v6;
	s31 =	sadd.s32 $0x80, s18  }
0x4c: {  	v3 =	vld.idx.msk [tilespmem:v3+s2+$0x0], $0xffff;
	[tilespmem:s31+$0x30] =	vst v4  }
0x4d: {  	v1 =	vld.idx.msk [tilespmem:v1+s2+$0x0], $0xffff;
	[tilespmem:s31+$0xFFFFFFD0] =	vst v5  }
0x4e: {  	v2 =	vld.idx.msk [tilespmem:v2+s2+$0x0], $0xffff;
	[tilespmem:s31+$0xFFFFFFE0] =	vst v7  }
0x4f: {  	[tilespmem:s31+$0xFFFFFFF0] =	vst v8  }
0x50: {  	[tilespmem:s31+$0x0] =	vst v9  }
0x51: {  	s16 =	sadd.s32 $0x1, s16;
	[tilespmem:s31+$0xFFFFFFC0] =	vst v3  }
0x52: {  	p0 =	sne.s32 s16, $0x4;
	[tilespmem:s31+$0x10] =	vst v1  }
.Ltmp1:
0x53: {  	s17 =	sadd.s32 s5, s17;
	[tilespmem:s31+$0x20] =	vst v2;
	(pc) =	sbr.rel @p0 .LBB2_3-.Ltmp1, $4  }
0x54: {  	[hbm4b:s17+s8] =	stream.strided.scatter [tilespmem:s12], [sflag:$0x1], $0x4000, s9, s8, $0x38;
	[tilespmem:$0x18000] =	vst v63  }
0x55: {  	_ =	swait.ge [sflag:s10], $0x4000  }
0x56: {  	[sflag:s10] =	ssyncset.done $0x0  }
0x57: {  	[sflag:s10] =	ssyncadd.s32 $0xFFFFC000  }
0x58: {  	s14 =	sadd.s32 $0x1, s14  }
0x59: {  	p0 =	sne.s32 s14, $0x8  }
.Ltmp2:
0x5a: {  	_ = 	snop;
	(pc) =	sbr.rel @p0 .LBB2_2-.Ltmp2, $1  }
0x5b: {  	_ =	sdelay $0x3  }
0x5c: {  	s13 =	sadd.s32 $0x1, s13  }
0x5d: {  	p0 =	sne.s32 s13, s6  }
.Ltmp3:
0x5e: {  	_ = 	snop;
	(pc) =	sbr.rel @p0 .LBB2_1-.Ltmp3, $1  }
0x5f: {  	_ =	sdelay $0x3  }
0x60: {  	_ =	sfence.sel $0x180000  }
0x61: {  	[bflag:$0x0] =	sbarrier.arrive $0xFFFF  }
0x62: {  	p0 =	sne.s32 s3, $0x0;
	_ =	strace $0x9000004D  }
0x63: {  	s0 =	sadd.s32 @!p0 $0x100000, s0;
	[bflag:$0x2] =	sbarrier.arrive $0xFFFF  }
0x64: {  	[sflag:s0] =	ssyncadd.tile.s32 @!p0 $0x1;
	_ =	shalt  }
.Lfunc_end2:
_tile_overlayer_lowered:
.L_overlay_start_2:
0x65: {  	(tag) =	ssettag $0x2  }
0x66: {  	s0 =	rddreg [dreg:$0x0];
	s2 =	stileid.u32  }
0x67: {  	s1 =	rddreg [dreg:$0x1];
	p0 =	sne.s32 s2, $0x0  }
0x68: {  	s3 =	rddreg [dreg:$0x2];
	[bflag:$0x3] =	sbarrier.arrive $0xFFFF;
	s2 =	simm.s32 @!p0 $0x1C01  }
0x69: {  	[timem:s3], [sflag:s2] =	dma.local @!p0 [hbm:s0], s1  }
0x6a: {  	s0 =	simm.s32 @!p0 $0x1  }
0x6b: {  	_ =	swait.ge @!p0 [sflag:s0], s1  }
0x6c: {  	s1 =	ssub.s32 @!p0 $0x0, s1;
	[sflag:s0] =	ssyncset.done @!p0 $0x0  }
0x6d: {  	[sflag:s0] =	ssyncadd.s32 @!p0 s1  }
0x6e: {  	[bflag:$0x3] =	sbarrier.arrive $0xFFFF  }
0x6f: {  	_ =	shalt  }

// kernel: sparse-core-data-format-call.1.cloned.1.call-start
scs
called_computation.1_lowered:
.L_overlay_start_0:
0x0: {  	s2 =	sld [smem:$0x3FD9]  }
0x1: {  	s3 =	sld [smem:$0x3FFE];
	_ =	sdelay $0x1  }
0x2: {  	s1 =	srdreg.scid  }
0x3: {  	s0 =	sand.u32 $0x1, s1  }
0x4: {  	s18 =	sshll.u32 s0, $0xA;
	s2 =	sadd.s32 s3, s2  }
0x5: {  	s2 =	sadd.s32 s2, s18  }
0x6: {  	[smem:$0x3FC6] =	sst s2  }
0x7: {  	_ = 	snop  }
0x8: {  	s2 =	sld [smem:$0x3FC9];
	(tm) =	ssettm $0x1  }
0x9: {  	s19 =	sld [smem:$0x3FFB];
	_ =	sdelay $0x3  }
0xa: {  	_ =	strace s19  }
0xb: {  	s3 =	sld [smem:$0x3FFC];
	_ =	sdelay $0x3  }
0xc: {  	_ =	strace s3  }
0xd: {  	s3 =	sld [smem:$0x3FFD];
	_ =	sdelay $0x3  }
0xe: {  	_ =	strace s3  }
0xf: {  	_ =	strace $0x8FFFFFFF  }
0x10: {  	s20 =	sld [smem:$0x3FDB];
	_ =	sdelay $0x1  }
0x11: {  	s4 =	simm.s32 $_scs_section_size  }
0x12: {  	s5 =	simm.s32 $_size__tile_overlayer_lowered;
	s6 =	simm.s32 $_tile_overlayer_lowered  }
0x13: {  	s23 =	simm.s32 $0x1BFF;
	s22 =	sshll.u32 s6, $0x1;
	s3 =	sadd.s32 s4, s20  }
0x14: {  	s7 =	simm.s32 $0x0;
	s21 =	sshll.u32 s5, $0x1;
	s5 =	sadd.s32 s22, s3  }
0x15: {  	[timem:s7], [sflag:s23] =	dma.local [hbm:s5], s21  }
0x16: {  	_ =	swait.ge [sflag:s23], s21  }
0x17: {  	s4 =	ssub.s32 $0x0, s21;
	[sflag:s23] =	ssyncset.done $0x0  }
0x18: {  	[sflag:s23] =	ssyncadd.s32 s4;
	_ =	sdelay $0x1  }
0x19: {  	s24 =	simm.s32 $0x1B8B  }
0x1a: {  	_ =	swait.ge [sflag:s24], $0x1  }
0x1b: {  	[sflag:s24] =	ssyncset.done $0x0  }
0x1c: {  	s26 =	simm.s32 $0x1B8E;
	s25 =	sld [smem:$0x3FFE];
	[sflag:s24] =	ssyncadd.s32 $0xFFFFFFFF  }
0x1d: {  	s27 =	simm.s32 $execute0_lowered;
	[smem:$0x3FD2] =	sst s26  }
0x1e: {  	s5 =	sshll.u32 s27, $0x1;
	_ =	strace $0x80000046;
	[dreg:$0x1] =	wrdreg $0xFFFFFFFF  }
0x1f: {  	s28 =	simm.s32 $_size_execute0_lowered;
	s3 =	sadd.s32 s3, s5;
	[dreg:$0x0] =	wrdreg $0x0  }
0x20: {  	s5 =	sshll.u32 s28, $0x1;
	[dreg:$0x2] =	wrdreg s3  }
0x21: {  	[dreg:$0x3] =	wrdreg s5  }
0x22: {  	[dreg:$0x4] =	wrdreg $0xC0  }
0x23: {  	_ =	task [dreg:s7], $0x5FFFF  }
0x24: {  	[dreg:$0x1] =	wrdreg $0xFFFFFFFF  }
0x25: {  	[dreg:$0x0] =	wrdreg $0x60  }
0x26: {  	[dreg:$0x2] =	wrdreg s2  }
0x27: {  	[dreg:$0x3] =	wrdreg s25  }
0x28: {  	[dreg:$0x4] =	wrdreg $0xA  }
0x29: {  	_ =	task.clear_ibuf [dreg:s7], $0x5FFFF;
	_ =	strace $0x90000046  }
0x2a: {  	s29 =	simm.s32 $0xA;
	_ =	strace $0x80000048  }
0x2b: {  	_ =	swait.ge [sflag:s29], $0x1  }
0x2c: {  	[sflag:s29] =	ssyncadd.s32 $0xFFFFFFFF  }
0x2d: {  	_ =	strace $0x90000048  }
0x2e: {  	_ =	sfence  }
0x2f: {  	s30 =	sld [smem:$0x0];
	_ =	sdelay $0x2  }
0x30: {  	s31 =	sshll.u32 s1, $0xD;
	s1 =	sshrl.u32 s1, $0x2  }
0x31: {  	s3 =	sand.u32 $0x4000, s31;
	s1 =	sadd.s32 s1, s30  }
0x32: {  	s0 =	sor.u32 s3, s0;
	s1 =	sshll.u32 s1, $0x11  }
0x33: {  	s0 =	sor.u32 s1, s0  }
0x34: {  	s0 =	sadd.s32 $0x8F2B, s0  }
0x35: {  	[sflag:s0] =	ssyncadd.remote.s32 $0x1  }
0x36: {  	_ =	sfence.sel $0xFFFF  }
0x37: {  	[dreg:$0x0] =	wrdreg $0xFFFFFFFF;
	(pc) =	sbr.abs _section_cstart, $3  }
0x38: {  	[dreg:$0x1] =	wrdreg $0xFFFFFFFF  }
0x39: {  	_ =	task.clear_ibuf [dreg:s7], $0x2FFFF;
	_ =	strace $0x9FFFFFFF  }
0x3a: {  	(tm) =	ssettm $0x7FFFFFFF  }
0x3b: {  	_ =	shalt  }
tec
execute0_lowered:
.L_overlay_start_1:
0x0: {  	(tag) =	ssettag $0x1  }
0x1: {  	s0 =	srdreg.scid  }
0x2: {  	s1 =	sshll.u32 s0, $0x4  }
0x3: {  	s2 =	rddreg [dreg:$0x0];
	s0 =	stileid.u32;
	s1 =	sand.u32 $0x10, s1  }
0x4: {  	s4 =	rddreg [dreg:$0x1];
	s7 =	simm.s32 $0x1;
	s1 =	sor.u32 s0, s1  }
0x5: {  	s8 =	simm.s32 $0x2;
	s9 =	simm.s32 $0x0;
	s3 =	sshll.u32 s1, $0x3  }
0x6: {  	s12 =	simm.s32 $0x0;
	s11 =	simm.s32 $0x0;
	s6 =	ssub.s32 $0x2000, s3  }
.Ltmp0:
0x7: {  	s4 =	sadd.s32 $0xC00, s4;
	s5 =	sand.u32 $0xF8, s6;
	(pc) =	sbr.rel .LBB1_1-.Ltmp0, $4  }
0x8: {  	s1 =	rddreg [dreg:$0x2];
	_ =	strace $0x80000047;
	p0 =	sne.s32 s5, $0x0  }
0x9: {  	s6 =	sshrl.u32 s6, $0x8;
	s5 =	simm.s32 $0x1;
	s7 =	simm.s32 @!p0 $0x0  }
0xa: {  	s10 =	smov.u32 s3;
	[sflag:s5] =	ssyncpa.u1 $0x0;
	s6 =	sadd.s32 s7, s6  }
0xb: {  	[sflag:s8] =	ssyncpa.u1 $0x0;
	s8 =	simm.s32 $0x0;
	s7 =	sadd.s32 $0x1, s6  }
.LBB1_9:
0xc: {  	s14 =	sadd.s32 $0x100, s10  }
0xd: {  	p1 =	sgt.s32 s14, $0x1FFF  }
0xe: {  	s14 =	smov.u32 @p1 s3;
	p1 =	sne.s32 s11, s7  }
.Ltmp1:
0xf: {  	p0 =	slt.u32 s11, $0x2;
	(pc) =	sbr.rel @!p1 .LBB1_10-.Ltmp1, $4  }
0x10: {  	s13 =	simm.s32 @!p0 $0x2  }
0x11: {  	s15 =	sadd.s32 $0x1, s11;
	_ =	swait.ge @!p0 [sflag:s13], $0x4000  }
0x12: {  	s12 =	smov.u32 s10;
	s9 =	sadd.s32 $0x4000, s9;
	[sflag:s13] =	ssyncset.done @!p0 $0x0  }
0x13: {  	s11 =	smov.u32 s15;
	s10 =	smov.u32 s14;
	[sflag:s13] =	ssyncadd.s32 @!p0 $0xFFFFC000  }
.LBB1_1:
0x14: {  	p0 =	sge.u32 s11, s6  }
0x15: {  	s13 =	sxor.u32 @!p0 $0xFFFFFFFF, s11  }
0x16: {  	s31 =	sadd.s32 $0xFFFFFFFF, s11;
	s14 =	sshll.u32 @!p0 s10, $0x8;
	s13 =	sshll.u32 @!p0 s13, $0xE  }
0x17: {  	s15 =	simm.s32 @!p0 $0x0;
	s14 =	sadd.s32 @!p0 s2, s14;
	s13 =	sand.u32 @!p0 $0x4000, s13  }
0x18: {  	[tilespmem:s13], [sflag:$0x1] =	stream.linear.gather @!p0 [hbm4b:s14+s15], $0x4000, $0x38;
	[tilespmem:$0x10000] =	vst v63  }
0x19: {  	p0 =	sge.u32 s31, s6  }
.Ltmp2:
0x1a: {  	_ = 	snop;
	(pc) =	sbr.rel @p0 .LBB1_9-.Ltmp2, $1  }
0x1b: {  	_ =	sdelay $0x3  }
0x1c: {  	s13 =	sshll.u32 s9, $0x2;
	_ =	swait.ge [sflag:s5], $0x4000;
	s14 =	sshll.u32 s11, $0xE  }
0x1d: {  	s16 =	simm.s32 $0x0;
	s17 =	simm.s32 $0x0;
	s15 =	sand.u32 $0x10000, s13  }
0x1e: {  	[sflag:s5] =	ssyncset.done $0x0;
	s31 =	sand.u32 $0x4000, s14;
	s14 =	sshrl.u32 s15, $0x2  }
0x1f: {  	[sflag:s5] =	ssyncadd.s32 $0xFFFFC000;
	s13 =	sor.u32 $0x8000, s31;
	s15 =	sor.u32 $0x8000, s14  }
.LBB1_3:
0x20: {  	s18 =	sshra.s32 s16, $0x2  }
0x21: {  	v0 =	vmov s18;
	_ =	sdelay $0x3  }
0x22: {  	p1 =	por $0x1, $0x1;
	s18 =	simm.s32 $0x0  }
.LBB1_4:
0x23: {  	_ = 	snop  }
0x24: {  	s19 =	sshll.u32 s18, $0xA  }
0x25: {  	s19 =	sand.u32 $0x3FFFFC00, s19  }
0x26: {  	s19 =	sadd.s32 s19, s14  }
0x27: {  	v5 =	vld.idx.msk [tilespmem:v0+s19+$0x70 ss:$0x1], $0xffff  }
0x28: {  	v6 =	vld.idx.msk [tilespmem:v0+s19+$0x10 ss:$0x1], $0xffff  }
0x29: {  	v7 =	vld.idx.msk [tilespmem:v0+s19+$0x20 ss:$0x1], $0xffff  }
0x2a: {  	s31 =	sshll.u32 s18, $0x7;
	v1 =	vld.idx.msk [tilespmem:v0+s19+$0x30 ss:$0x1], $0xffff  }
0x2b: {  	s18 =	sand.u32 $0x3FFFFF80, s31;
	v2 =	vld.idx.msk [tilespmem:v0+s19+$0x40 ss:$0x1], $0xffff  }
0x2c: {  	s18 =	sadd.s32 s18, s15;
	v3 =	vld.idx.msk [tilespmem:v0+s19+$0x50 ss:$0x1], $0xffff  }
0x2d: {  	v4 =	vld.idx.msk [tilespmem:v0+s19+$0x60 ss:$0x1], $0xffff;
	[tilespmem:v0+s18+$0x70 ss:$0x1] =	vst.idx.msk $0xffff, v5  }
0x2e: {  	v5 =	vld.idx.msk [tilespmem:v0+s19+$0x0 ss:$0x1], $0xffff;
	[tilespmem:v0+s18+$0x10 ss:$0x1] =	vst.idx.msk $0xffff, v6;
	s19 =	sadd.s32 $0x80, s19  }
0x2f: {  	p0 =	por p1, p1;
	s20 =	simm.s32 $0x6;
	[tilespmem:v0+s18+$0x20 ss:$0x1] =	vst.idx.msk $0xffff, v7;
	v6 =	vld.idx.msk [tilespmem:v0+s19+$0x70 ss:$0x1], $0xffff  }
.LBB1_5:
0x30: {  	p1 =	sne.s32 s20, $0x1;
	v7 =	vld.idx.msk [tilespmem:v0+s19+$0x10 ss:$0x1], $0xffff;
	[tilespmem:v0+s18+$0x30 ss:$0x1] =	vst.idx.msk $0xffff, v1  }
0x31: {  	v8 =	vld.idx.msk [tilespmem:v0+s19+$0x20 ss:$0x1], $0xffff;
	[tilespmem:v0+s18+$0x40 ss:$0x1] =	vst.idx.msk $0xffff, v2  }
0x32: {  	v1 =	vld.idx.msk [tilespmem:v0+s19+$0x30 ss:$0x1], $0xffff;
	[tilespmem:v0+s18+$0x50 ss:$0x1] =	vst.idx.msk $0xffff, v3  }
.Ltmp3:
0x33: {  	v2 =	vld.idx.msk [tilespmem:v0+s19+$0x40 ss:$0x1], $0xffff;
	[tilespmem:v0+s18+$0x60 ss:$0x1] =	vst.idx.msk $0xffff, v4;
	(pc) =	sbr.rel @p1 .LBB1_5-.Ltmp3, $4  }
0x34: {  	v3 =	vld.idx.msk [tilespmem:v0+s19+$0x50 ss:$0x1], $0xffff;
	[tilespmem:v0+s18+$0x0 ss:$0x1] =	vst.idx.msk $0xffff, v5;
	s18 =	sadd.s32 $0x100, s18  }
0x35: {  	v4 =	vld.idx.msk [tilespmem:v0+s19+$0x60 ss:$0x1], $0xffff;
	[tilespmem:v0+s18+$0x70 ss:$0x1] =	vst.idx.msk $0xffff, v6  }
0x36: {  	v5 =	vld.idx.msk [tilespmem:v0+s19+$0x0 ss:$0x1], $0xffff;
	[tilespmem:v0+s18+$0x10 ss:$0x1] =	vst.idx.msk $0xffff, v7;
	s19 =	sadd.s32 $0x80, s19  }
0x37: {  	s20 =	sadd.s32 $0xFFFFFFFF, s20;
	v6 =	vld.idx.msk [tilespmem:v0+s19+$0x70 ss:$0x1], $0xffff;
	[tilespmem:v0+s18+$0x20 ss:$0x1] =	vst.idx.msk $0xffff, v8  }
0x38: {  	_ =	sdelay $0x3  }
0x39: {  	[tilespmem:v0+s18+$0x30 ss:$0x1] =	vst.idx.msk $0xffff, v1  }
0x3a: {  	v1 =	vld.idx.msk [tilespmem:v0+s19+$0x10 ss:$0x1], $0xffff;
	[tilespmem:v0+s18+$0x40 ss:$0x1] =	vst.idx.msk $0xffff, v2  }
0x3b: {  	v2 =	vld.idx.msk [tilespmem:v0+s19+$0x20 ss:$0x1], $0xffff;
	[tilespmem:v0+s18+$0x50 ss:$0x1] =	vst.idx.msk $0xffff, v3  }
0x3c: {  	v61 =	vld.idx.msk [tilespmem:v0+s19+$0x40 ss:$0x1], $0xffff;
	[tilespmem:v0+s18+$0x60 ss:$0x1] =	vst.idx.msk $0xffff, v4  }
0x3d: {  	s31 =	sadd.s32 $0x100, s18;
	v62 =	vld.idx.msk [tilespmem:v0+s19+$0x50 ss:$0x1], $0xffff;
	[tilespmem:v0+s18+$0x0 ss:$0x1] =	vst.idx.msk $0xffff, v5  }
0x3e: {  	v63 =	vld.idx.msk [tilespmem:v0+s19+$0x60 ss:$0x1], $0xffff;
	[tilespmem:v0+s31+$0x70 ss:$0x1] =	vst.idx.msk $0xffff, v6  }
0x3f: {  	v3 =	vld.idx.msk [tilespmem:v0+s19+$0x30 ss:$0x1], $0xffff;
	[tilespmem:v0+s31+$0x10 ss:$0x1] =	vst.idx.msk $0xffff, v1  }
0x40: {  	v1 =	vld.idx.msk [tilespmem:v0+s19+$0x0 ss:$0x1], $0xffff;
	[tilespmem:v0+s31+$0x20 ss:$0x1] =	vst.idx.msk $0xffff, v2  }
.Ltmp4:
0x41: {  	[tilespmem:v0+s31+$0x40 ss:$0x1] =	vst.idx.msk $0xffff, v61;
	(pc) =	sbr.rel @p0 .LBB1_4-.Ltmp4, $4  }
0x42: {  	[tilespmem:v0+s31+$0x50 ss:$0x1] =	vst.idx.msk $0xffff, v62  }
0x43: {  	[tilespmem:v0+s31+$0x60 ss:$0x1] =	vst.idx.msk $0xffff, v63  }
0x44: {  	[tilespmem:v0+s31+$0x30 ss:$0x1] =	vst.idx.msk $0xffff, v3  }
0x45: {  	p1 =	por $0x0, $0x0;
	s18 =	simm.s32 $0x1;
	[tilespmem:v0+s31+$0x0 ss:$0x1] =	vst.idx.msk $0xffff, v1  }
0x46: {  	s17 =	sadd.s32 $0x1, s17  }
0x47: {  	p0 =	sne.s32 s17, $0x8  }
.Ltmp5:
0x48: {  	_ = 	snop;
	(pc) =	sbr.rel @p0 .LBB1_3-.Ltmp5, $2  }
0x49: {  	_ =	sdelay $0x2  }
0x4a: {  	s16 =	sadd.s32 $0x2000, s16  }
.Ltmp6:
0x4b: {  	(pc) =	sbr.rel .LBB1_9-.Ltmp6, $4  }
0x4c: {  	_ = 	snop  }
0x4d: {  	s12 =	sshll.u32 s12, $0x8  }
0x4e: {  	s12 =	sadd.s32 s4, s12  }
0x4f: {  	[hbm4b:s12+s8] =	stream.linear.scatter [tilespmem:s13], [sflag:$0x2], $0x4000, $0x38;
	[tilespmem:$0x10000] =	vst v63  }
.LBB1_10:
0x50: {  	_ =	sfence.sel $0x180000  }
0x51: {  	s2 =	simm.s32 $0x1;
	[bflag:$0x0] =	sbarrier.arrive $0xFFFF  }
0x52: {  	s31 =	simm.s32 $0x2;
	[sflag:s2] =	ssyncpa.u1 $0x1  }
0x53: {  	[sflag:s31] =	ssyncpa.u1 $0x1  }
0x54: {  	p0 =	sne.s32 s0, $0x0;
	_ =	strace $0x90000047  }
0x55: {  	s0 =	sadd.s32 @!p0 $0x100000, s1;
	[bflag:$0x2] =	sbarrier.arrive $0xFFFF  }
0x56: {  	[sflag:s0] =	ssyncadd.tile.s32 @!p0 $0x1;
	_ =	shalt  }
.Lfunc_end1:
_tile_overlayer_lowered:
.L_overlay_start_2:
0x57: {  	(tag) =	ssettag $0x2  }
0x58: {  	s0 =	rddreg [dreg:$0x0];
	s2 =	stileid.u32  }
0x59: {  	s1 =	rddreg [dreg:$0x1];
	p0 =	sne.s32 s2, $0x0  }
0x5a: {  	s3 =	rddreg [dreg:$0x2];
	[bflag:$0x3] =	sbarrier.arrive $0xFFFF;
	s2 =	simm.s32 @!p0 $0x1C01  }
0x5b: {  	[timem:s3], [sflag:s2] =	dma.local @!p0 [hbm:s0], s1  }
0x5c: {  	s0 =	simm.s32 @!p0 $0x1  }
0x5d: {  	_ =	swait.ge @!p0 [sflag:s0], s1  }
0x5e: {  	s1 =	ssub.s32 @!p0 $0x0, s1;
	[sflag:s0] =	ssyncset.done @!p0 $0x0  }
0x5f: {  	[sflag:s0] =	ssyncadd.s32 @!p0 s1  }
0x60: {  	[bflag:$0x3] =	sbarrier.arrive $0xFFFF  }
0x61: {  	_ =	shalt  }

// kernel: sparse-core-data-format-call.cloned.1.call-start
scs
called_computation_lowered:
.L_overlay_start_0:
0x0: {  	s2 =	sld [smem:$0x3FD9]  }
0x1: {  	s3 =	sld [smem:$0x3FFE];
	_ =	sdelay $0x1  }
0x2: {  	s1 =	srdreg.scid  }
0x3: {  	s0 =	sand.u32 $0x1, s1  }
0x4: {  	s19 =	sshll.u32 s0, $0xA;
	s2 =	sadd.s32 s3, s2  }
0x5: {  	s2 =	sadd.s32 s2, s19  }
0x6: {  	[smem:$0x3FC6] =	sst s2  }
0x7: {  	_ = 	snop  }
0x8: {  	s20 =	sld [smem:$0x3FC8]  }
0x9: {  	s4 =	sld [smem:$0x3FD0];
	(tm) =	ssettm $0x1  }
0xa: {  	s21 =	sld [smem:$0x3FFB];
	_ =	sdelay $0x3  }
0xb: {  	_ =	strace s21  }
0xc: {  	s2 =	sld [smem:$0x3FFC];
	_ =	sdelay $0x3  }
0xd: {  	_ =	strace s2  }
0xe: {  	s2 =	sld [smem:$0x3FFD];
	_ =	sdelay $0x3  }
0xf: {  	_ =	strace s2  }
0x10: {  	_ =	strace $0x8FFFFFFF  }
0x11: {  	s22 =	sld [smem:$0x3FDB];
	_ =	sdelay $0x1  }
0x12: {  	s5 =	simm.s32 $_scs_section_size  }
0x13: {  	s6 =	simm.s32 $_size__tile_overlayer_lowered;
	s7 =	simm.s32 $_tile_overlayer_lowered  }
0x14: {  	s8 =	simm.s32 $0x1BFF;
	s23 =	sshll.u32 s7, $0x1;
	s5 =	sadd.s32 s5, s22  }
0x15: {  	s24 =	simm.s32 $0x0;
	s6 =	sshll.u32 s6, $0x1;
	s7 =	sadd.s32 s23, s5  }
0x16: {  	[timem:s24], [sflag:s8] =	dma.local [hbm:s7], s6  }
0x17: {  	_ =	swait.ge [sflag:s8], s6  }
0x18: {  	s6 =	ssub.s32 $0x0, s6;
	[sflag:s8] =	ssyncset.done $0x0  }
0x19: {  	[sflag:s8] =	ssyncadd.s32 s6;
	_ =	sdelay $0x1  }
0x1a: {  	s25 =	simm.s32 $0x1B8B  }
0x1b: {  	_ =	swait.ge [sflag:s25], $0x1  }
0x1c: {  	[sflag:s25] =	ssyncset.done $0x0  }
0x1d: {  	[sflag:s25] =	ssyncadd.s32 $0xFFFFFFFF  }
0x1e: {  	s6 =	sld [smem:$0x0]  }
0x1f: {  	s7 =	sand.u32 $0xFFFFFFFE, s1  }
0x20: {  	p0 =	sne.s32 s1, s7  }
0x21: {  	s7 =	sshll.u32 @p0 s7, $0xE  }
0x22: {  	s7 =	sadd.s32 @p0 $0x11B8D, s7;
	s8 =	sshll.u32 @p0 s6, $0x11  }
0x23: {  	s7 =	sor.u32 @p0 s8, s7  }
0x24: {  	[sflag:s7] =	ssyncadd.remote.s32 @p0 $0x1;
	_ =	sdelay $0x1  }
0x25: {  	s7 =	simm.s32 @p0 $0x1B8D  }
0x26: {  	_ =	swait.eq @p0 [sflag:s7], $0x1  }
0x27: {  	[sflag:s7] =	ssyncadd.s32 @p0 $0xFFFFFFFF  }
0x28: {  	s8 =	sshll.u32 @!p0 s1, $0xE  }
0x29: {  	s8 =	sor.u32 @!p0 $0x4000, s8;
	s7 =	simm.s32 @!p0 $0x1B8D  }
0x2a: {  	s6 =	sshll.u32 @!p0 s6, $0x11;
	s8 =	sadd.s32 @!p0 $0x11B8D, s8;
	_ =	swait.eq @!p0 [sflag:s7], $0x1  }
0x2b: {  	s6 =	sor.u32 @!p0 s6, s8;
	[sflag:s7] =	ssyncadd.s32 @!p0 $0xFFFFFFFF  }
0x2c: {  	s26 =	simm.s32 $0x1B8E;
	[sflag:s6] =	ssyncadd.remote.s32 @!p0 $0x1  }
0x2d: {  	s27 =	simm.s32 $execute0_lowered;
	[smem:$0x3FD2] =	sst s26  }
0x2e: {  	s6 =	sshll.u32 s27, $0x1;
	_ =	strace $0x80000049;
	[dreg:$0x1] =	wrdreg $0xFFFFFFFF  }
0x2f: {  	s28 =	simm.s32 $_size_execute0_lowered;
	s5 =	sadd.s32 s5, s6;
	[dreg:$0x0] =	wrdreg $0x0  }
0x30: {  	s6 =	sshll.u32 s28, $0x1;
	[dreg:$0x2] =	wrdreg s5  }
0x31: {  	[dreg:$0x3] =	wrdreg s6  }
0x32: {  	[dreg:$0x4] =	wrdreg $0xC0  }
0x33: {  	_ =	task [dreg:s24], $0x5FFFF  }
0x34: {  	[dreg:$0x1] =	wrdreg $0xFFFFFFFF  }
0x35: {  	[dreg:$0x0] =	wrdreg $0x60  }
0x36: {  	[dreg:$0x2] =	wrdreg s20  }
0x37: {  	[dreg:$0x3] =	wrdreg s4  }
0x38: {  	[dreg:$0x4] =	wrdreg $0x9  }
0x39: {  	_ =	task.clear_ibuf [dreg:s24], $0x5FFFF;
	_ =	strace $0x90000049  }
0x3a: {  	s29 =	simm.s32 $0x9;
	_ =	strace $0x8000004B  }
0x3b: {  	_ =	swait.ge [sflag:s29], $0x1  }
0x3c: {  	[sflag:s29] =	ssyncadd.s32 $0xFFFFFFFF  }
0x3d: {  	_ =	strace $0x9000004B  }
0x3e: {  	_ =	sfence  }
0x3f: {  	s30 =	sld [smem:$0x0];
	_ =	sdelay $0x2  }
0x40: {  	s31 =	sshll.u32 s1, $0xD;
	s1 =	sshrl.u32 s1, $0x2  }
0x41: {  	s4 =	sand.u32 $0x4000, s31;
	s1 =	sadd.s32 s1, s30  }
0x42: {  	s0 =	sor.u32 s4, s0;
	s1 =	sshll.u32 s1, $0x11  }
0x43: {  	s0 =	sor.u32 s1, s0  }
0x44: {  	s0 =	sadd.s32 $0x8F2B, s0  }
0x45: {  	[sflag:s0] =	ssyncadd.remote.s32 $0x1  }
0x46: {  	_ =	sfence.sel $0xFFFF  }
0x47: {  	[dreg:$0x0] =	wrdreg $0xFFFFFFFF;
	(pc) =	sbr.abs _section_cstart, $3  }
0x48: {  	[dreg:$0x1] =	wrdreg $0xFFFFFFFF  }
0x49: {  	_ =	task.clear_ibuf [dreg:s24], $0x2FFFF;
	_ =	strace $0x9FFFFFFF  }
0x4a: {  	(tm) =	ssettm $0x7FFFFFFF  }
0x4b: {  	_ =	shalt  }
tec
execute0_lowered:
.L_overlay_start_1:
0x0: {  	(tag) =	ssettag $0x1  }
0x1: {  	s0 =	srdreg.scid  }
0x2: {  	s1 =	sshll.u32 s0, $0x4  }
0x3: {  	s2 =	rddreg [dreg:$0x0];
	s0 =	stileid.u32;
	s1 =	sand.u32 $0x10, s1  }
0x4: {  	s4 =	rddreg [dreg:$0x1];
	s1 =	sor.u32 s0, s1  }
0x5: {  	s7 =	simm.s32 $0x1;
	s8 =	simm.s32 $0x2;
	s3 =	sshll.u32 s1, $0x3  }
0x6: {  	s9 =	simm.s32 $0x0;
	s12 =	simm.s32 $0x0;
	s6 =	ssub.s32 $0x2000, s3  }
.Ltmp0:
0x7: {  	s11 =	simm.s32 $0x0;
	s5 =	sand.u32 $0xF8, s6;
	(pc) =	sbr.rel .LBB1_1-.Ltmp0, $4  }
0x8: {  	s1 =	rddreg [dreg:$0x2];
	_ =	strace $0x8000004A;
	p0 =	sne.s32 s5, $0x0  }
0x9: {  	s6 =	sshrl.u32 s6, $0x8;
	s5 =	simm.s32 $0x1;
	s7 =	simm.s32 @!p0 $0x0  }
0xa: {  	s10 =	smov.u32 s3;
	[sflag:s5] =	ssyncpa.u1 $0x0;
	s6 =	sadd.s32 s7, s6  }
0xb: {  	[sflag:s8] =	ssyncpa.u1 $0x0;
	s8 =	simm.s32 $0x0;
	s7 =	sadd.s32 $0x1, s6  }
.LBB1_9:
0xc: {  	s14 =	sadd.s32 $0x100, s10  }
0xd: {  	p1 =	sgt.s32 s14, $0x1FFF  }
0xe: {  	s14 =	smov.u32 @p1 s3;
	p1 =	sne.s32 s11, s7  }
.Ltmp1:
0xf: {  	p0 =	slt.u32 s11, $0x2;
	(pc) =	sbr.rel @!p1 .LBB1_10-.Ltmp1, $4  }
0x10: {  	s13 =	simm.s32 @!p0 $0x2  }
0x11: {  	s15 =	sadd.s32 $0x1, s11;
	_ =	swait.ge @!p0 [sflag:s13], $0x4000  }
0x12: {  	s12 =	smov.u32 s10;
	s9 =	sadd.s32 $0x4000, s9;
	[sflag:s13] =	ssyncset.done @!p0 $0x0  }
0x13: {  	s11 =	smov.u32 s15;
	s10 =	smov.u32 s14;
	[sflag:s13] =	ssyncadd.s32 @!p0 $0xFFFFC000  }
.LBB1_1:
0x14: {  	p0 =	sge.u32 s11, s6  }
0x15: {  	s13 =	sxor.u32 @!p0 $0xFFFFFFFF, s11  }
0x16: {  	s31 =	sadd.s32 $0xFFFFFFFF, s11;
	s14 =	sshll.u32 @!p0 s10, $0x8;
	s13 =	sshll.u32 @!p0 s13, $0xE  }
0x17: {  	s15 =	simm.s32 @!p0 $0x0;
	s14 =	sadd.s32 @!p0 s2, s14;
	s13 =	sand.u32 @!p0 $0x4000, s13  }
0x18: {  	[tilespmem:s13], [sflag:$0x1] =	stream.linear.gather @!p0 [hbm4b:s14+s15], $0x4000, $0x38;
	[tilespmem:$0x10000] =	vst v63  }
0x19: {  	p0 =	sge.u32 s31, s6  }
.Ltmp2:
0x1a: {  	_ = 	snop;
	(pc) =	sbr.rel @p0 .LBB1_9-.Ltmp2, $1  }
0x1b: {  	_ =	sdelay $0x3  }
0x1c: {  	s13 =	sshll.u32 s9, $0x2;
	_ =	swait.ge [sflag:s5], $0x4000;
	s14 =	sshll.u32 s11, $0xE  }
0x1d: {  	s16 =	simm.s32 $0x0;
	s17 =	simm.s32 $0x0;
	s15 =	sand.u32 $0x10000, s13  }
0x1e: {  	[sflag:s5] =	ssyncset.done $0x0;
	s31 =	sand.u32 $0x4000, s14;
	s14 =	sshrl.u32 s15, $0x2  }
0x1f: {  	[sflag:s5] =	ssyncadd.s32 $0xFFFFC000;
	s13 =	sor.u32 $0x8000, s31;
	s15 =	sor.u32 $0x8000, s14  }
.LBB1_3:
0x20: {  	s18 =	sshra.s32 s16, $0x2  }
0x21: {  	v0 =	vmov s18;
	_ =	sdelay $0x3  }
0x22: {  	p1 =	por $0x1, $0x1;
	s18 =	simm.s32 $0x0  }
.LBB1_4:
0x23: {  	_ = 	snop  }
0x24: {  	s19 =	sshll.u32 s18, $0xA  }
0x25: {  	s19 =	sand.u32 $0x3FFFFC00, s19  }
0x26: {  	s19 =	sadd.s32 s19, s14  }
0x27: {  	v5 =	vld.idx.msk [tilespmem:v0+s19+$0x70 ss:$0x1], $0xffff  }
0x28: {  	v6 =	vld.idx.msk [tilespmem:v0+s19+$0x10 ss:$0x1], $0xffff  }
0x29: {  	v7 =	vld.idx.msk [tilespmem:v0+s19+$0x20 ss:$0x1], $0xffff  }
0x2a: {  	s31 =	sshll.u32 s18, $0x7;
	v1 =	vld.idx.msk [tilespmem:v0+s19+$0x30 ss:$0x1], $0xffff  }
0x2b: {  	s18 =	sand.u32 $0x3FFFFF80, s31;
	v2 =	vld.idx.msk [tilespmem:v0+s19+$0x40 ss:$0x1], $0xffff  }
0x2c: {  	s18 =	sadd.s32 s18, s15;
	v3 =	vld.idx.msk [tilespmem:v0+s19+$0x50 ss:$0x1], $0xffff  }
0x2d: {  	v4 =	vld.idx.msk [tilespmem:v0+s19+$0x60 ss:$0x1], $0xffff;
	[tilespmem:v0+s18+$0x70 ss:$0x1] =	vst.idx.msk $0xffff, v5  }
0x2e: {  	v5 =	vld.idx.msk [tilespmem:v0+s19+$0x0 ss:$0x1], $0xffff;
	[tilespmem:v0+s18+$0x10 ss:$0x1] =	vst.idx.msk $0xffff, v6;
	s19 =	sadd.s32 $0x80, s19  }
0x2f: {  	p0 =	por p1, p1;
	s20 =	simm.s32 $0x6;
	[tilespmem:v0+s18+$0x20 ss:$0x1] =	vst.idx.msk $0xffff, v7;
	v6 =	vld.idx.msk [tilespmem:v0+s19+$0x70 ss:$0x1], $0xffff  }
.LBB1_5:
0x30: {  	p1 =	sne.s32 s20, $0x1;
	v7 =	vld.idx.msk [tilespmem:v0+s19+$0x10 ss:$0x1], $0xffff;
	[tilespmem:v0+s18+$0x30 ss:$0x1] =	vst.idx.msk $0xffff, v1  }
0x31: {  	v8 =	vld.idx.msk [tilespmem:v0+s19+$0x20 ss:$0x1], $0xffff;
	[tilespmem:v0+s18+$0x40 ss:$0x1] =	vst.idx.msk $0xffff, v2  }
0x32: {  	v1 =	vld.idx.msk [tilespmem:v0+s19+$0x30 ss:$0x1], $0xffff;
	[tilespmem:v0+s18+$0x50 ss:$0x1] =	vst.idx.msk $0xffff, v3  }
.Ltmp3:
0x33: {  	v2 =	vld.idx.msk [tilespmem:v0+s19+$0x40 ss:$0x1], $0xffff;
	[tilespmem:v0+s18+$0x60 ss:$0x1] =	vst.idx.msk $0xffff, v4;
	(pc) =	sbr.rel @p1 .LBB1_5-.Ltmp3, $4  }
0x34: {  	v3 =	vld.idx.msk [tilespmem:v0+s19+$0x50 ss:$0x1], $0xffff;
	[tilespmem:v0+s18+$0x0 ss:$0x1] =	vst.idx.msk $0xffff, v5;
	s18 =	sadd.s32 $0x100, s18  }
0x35: {  	v4 =	vld.idx.msk [tilespmem:v0+s19+$0x60 ss:$0x1], $0xffff;
	[tilespmem:v0+s18+$0x70 ss:$0x1] =	vst.idx.msk $0xffff, v6  }
0x36: {  	v5 =	vld.idx.msk [tilespmem:v0+s19+$0x0 ss:$0x1], $0xffff;
	[tilespmem:v0+s18+$0x10 ss:$0x1] =	vst.idx.msk $0xffff, v7;
	s19 =	sadd.s32 $0x80, s19  }
0x37: {  	s20 =	sadd.s32 $0xFFFFFFFF, s20;
	v6 =	vld.idx.msk [tilespmem:v0+s19+$0x70 ss:$0x1], $0xffff;
	[tilespmem:v0+s18+$0x20 ss:$0x1] =	vst.idx.msk $0xffff, v8  }
0x38: {  	_ =	sdelay $0x3  }
0x39: {  	[tilespmem:v0+s18+$0x30 ss:$0x1] =	vst.idx.msk $0xffff, v1  }
0x3a: {  	v1 =	vld.idx.msk [tilespmem:v0+s19+$0x10 ss:$0x1], $0xffff;
	[tilespmem:v0+s18+$0x40 ss:$0x1] =	vst.idx.msk $0xffff, v2  }
0x3b: {  	v2 =	vld.idx.msk [tilespmem:v0+s19+$0x20 ss:$0x1], $0xffff;
	[tilespmem:v0+s18+$0x50 ss:$0x1] =	vst.idx.msk $0xffff, v3  }
0x3c: {  	v61 =	vld.idx.msk [tilespmem:v0+s19+$0x40 ss:$0x1], $0xffff;
	[tilespmem:v0+s18+$0x60 ss:$0x1] =	vst.idx.msk $0xffff, v4  }
0x3d: {  	s31 =	sadd.s32 $0x100, s18;
	v62 =	vld.idx.msk [tilespmem:v0+s19+$0x50 ss:$0x1], $0xffff;
	[tilespmem:v0+s18+$0x0 ss:$0x1] =	vst.idx.msk $0xffff, v5  }
0x3e: {  	v63 =	vld.idx.msk [tilespmem:v0+s19+$0x60 ss:$0x1], $0xffff;
	[tilespmem:v0+s31+$0x70 ss:$0x1] =	vst.idx.msk $0xffff, v6  }
0x3f: {  	v3 =	vld.idx.msk [tilespmem:v0+s19+$0x30 ss:$0x1], $0xffff;
	[tilespmem:v0+s31+$0x10 ss:$0x1] =	vst.idx.msk $0xffff, v1  }
0x40: {  	v1 =	vld.idx.msk [tilespmem:v0+s19+$0x0 ss:$0x1], $0xffff;
	[tilespmem:v0+s31+$0x20 ss:$0x1] =	vst.idx.msk $0xffff, v2  }
.Ltmp4:
0x41: {  	[tilespmem:v0+s31+$0x40 ss:$0x1] =	vst.idx.msk $0xffff, v61;
	(pc) =	sbr.rel @p0 .LBB1_4-.Ltmp4, $4  }
0x42: {  	[tilespmem:v0+s31+$0x50 ss:$0x1] =	vst.idx.msk $0xffff, v62  }
0x43: {  	[tilespmem:v0+s31+$0x60 ss:$0x1] =	vst.idx.msk $0xffff, v63  }
0x44: {  	[tilespmem:v0+s31+$0x30 ss:$0x1] =	vst.idx.msk $0xffff, v3  }
0x45: {  	p1 =	por $0x0, $0x0;
	s18 =	simm.s32 $0x1;
	[tilespmem:v0+s31+$0x0 ss:$0x1] =	vst.idx.msk $0xffff, v1  }
0x46: {  	s17 =	sadd.s32 $0x1, s17  }
0x47: {  	p0 =	sne.s32 s17, $0x8  }
.Ltmp5:
0x48: {  	_ = 	snop;
	(pc) =	sbr.rel @p0 .LBB1_3-.Ltmp5, $2  }
0x49: {  	_ =	sdelay $0x2  }
0x4a: {  	s16 =	sadd.s32 $0x2000, s16  }
.Ltmp6:
0x4b: {  	(pc) =	sbr.rel .LBB1_9-.Ltmp6, $4  }
0x4c: {  	_ = 	snop  }
0x4d: {  	s12 =	sshll.u32 s12, $0x8  }
0x4e: {  	s12 =	sadd.s32 s4, s12  }
0x4f: {  	[hbm4b:s12+s8] =	stream.linear.scatter [tilespmem:s13], [sflag:$0x2], $0x4000, $0x38;
	[tilespmem:$0x10000] =	vst v63  }
.LBB1_10:
0x50: {  	_ =	sfence.sel $0x180000  }
0x51: {  	s2 =	simm.s32 $0x1;
	[bflag:$0x0] =	sbarrier.arrive $0xFFFF  }
0x52: {  	s31 =	simm.s32 $0x2;
	[sflag:s2] =	ssyncpa.u1 $0x1  }
0x53: {  	[sflag:s31] =	ssyncpa.u1 $0x1  }
0x54: {  	p0 =	sne.s32 s0, $0x0;
	_ =	strace $0x9000004A  }
0x55: {  	s0 =	sadd.s32 @!p0 $0x100000, s1;
	[bflag:$0x2] =	sbarrier.arrive $0xFFFF  }
0x56: {  	[sflag:s0] =	ssyncadd.tile.s32 @!p0 $0x1;
	_ =	shalt  }
.Lfunc_end1:
_tile_overlayer_lowered:
.L_overlay_start_2:
0x57: {  	(tag) =	ssettag $0x2  }
0x58: {  	s0 =	rddreg [dreg:$0x0];
	s2 =	stileid.u32  }
0x59: {  	s1 =	rddreg [dreg:$0x1];
	p0 =	sne.s32 s2, $0x0  }
0x5a: {  	s3 =	rddreg [dreg:$0x2];
	[bflag:$0x3] =	sbarrier.arrive $0xFFFF;
	s2 =	simm.s32 @!p0 $0x1C01  }
0x5b: {  	[timem:s3], [sflag:s2] =	dma.local @!p0 [hbm:s0], s1  }
0x5c: {  	s0 =	simm.s32 @!p0 $0x1  }
0x5d: {  	_ =	swait.ge @!p0 [sflag:s0], s1  }
0x5e: {  	s1 =	ssub.s32 @!p0 $0x0, s1;
	[sflag:s0] =	ssyncset.done @!p0 $0x0  }
0x5f: {  	[sflag:s0] =	ssyncadd.s32 @!p0 s1  }
0x60: {  	[bflag:$0x3] =	sbarrier.arrive $0xFFFF  }
0x61: {  	_ =	shalt  }

</sc_bundles>
